<compile_context>
chip_gen: v7x
topology: tpu7x:2x2x1
jax: 0.10.2.dev20260603
libtpu: 0.0.44.dev20260713+nightly
codegen_flags: <defaults>
</compile_context>

<pallas_src>
import functools

import jax
import jax.numpy as jnp
from jax import lax
from jax.experimental import pallas as pl
from jax.experimental.pallas import tpu as pltpu
from jax.experimental.pallas import tpu_sc as plsc

NC = 2
NS = 16
LANES = 16
CHUNK = 80
ZROWS = 80


def _sc_partial_sums(x, src, dst):
    n, d = x.shape
    e = src.shape[0]
    n_blocks = n // ZROWS
    blocks_per_tile = -(-n_blocks // NS)
    edges_per_core = e // NC
    edges_per_tile = edges_per_core // NS

    mesh = plsc.VectorSubcoreMesh(core_axis_name="c", subcore_axis_name="s")

    @functools.partial(
        pl.kernel,
        out_type=(jax.ShapeDtypeStruct((n, d), jnp.float32),
                  jax.ShapeDtypeStruct((n, d), jnp.float32)),
        mesh=mesh,
        scratch_types=[
            pltpu.VMEM((CHUNK,), jnp.int32),
            pltpu.VMEM((CHUNK,), jnp.int32),
            pltpu.VMEM((CHUNK, d), jnp.float32),
            pltpu.VMEM((ZROWS, d), jnp.float32),
            pltpu.VMEM_SHARED((n, d), jnp.float32),
            pltpu.SemaphoreType.DMA,
        ],
    )
    def sc_kern(x_hbm, src_hbm, dst_hbm, p0_hbm, p1_hbm,
                sidx, didx, rows, zbuf, acc, sem):
        c = lax.axis_index("c")
        s = lax.axis_index("s")

        @pl.loop(0, ZROWS)
        def _(r):
            @pl.loop(0, d, step=LANES)
            def _(cc):
                zbuf[r, pl.ds(cc, LANES)] = jnp.zeros((LANES,), jnp.float32)

        @pl.loop(0, blocks_per_tile)
        def _(i):
            blk = i * NS + s

            @pl.when(blk < n_blocks)
            def _():
                pltpu.sync_copy(zbuf, acc.at[pl.ds(blk * ZROWS, ZROWS)])

        plsc.subcore_barrier()

        @pl.loop(0, edges_per_tile, step=CHUNK)
        def _(e0):
            base = c * edges_per_core + s * edges_per_tile + e0
            pltpu.sync_copy(src_hbm.at[pl.ds(base, CHUNK)], sidx)
            pltpu.sync_copy(dst_hbm.at[pl.ds(base, CHUNK)], didx)
            pltpu.async_copy(x_hbm.at[sidx], rows, sem).wait()
            pltpu.sync_copy(rows, acc.at[didx], add=True)

        plsc.subcore_barrier()

        @pl.loop(0, blocks_per_tile)
        def _(i):
            blk = i * NS + s

            @pl.when(blk < n_blocks)
            def _():
                r = blk * ZROWS
                pltpu.sync_copy(acc.at[pl.ds(r, ZROWS)], zbuf)

                @pl.when(c == 0)
                def _():
                    pltpu.sync_copy(zbuf, p0_hbm.at[pl.ds(r, ZROWS)])

                @pl.when(c == 1)
                def _():
                    pltpu.sync_copy(zbuf, p1_hbm.at[pl.ds(r, ZROWS)])

    return sc_kern(x, src, dst)


def _tc_add(a, b):
    n, d = a.shape
    bt = 1000

    def body(a_ref, b_ref, o_ref):
        o_ref[...] = a_ref[...] + b_ref[...]

    return pl.pallas_call(
        body,
        out_shape=jax.ShapeDtypeStruct((n, d), jnp.float32),
        grid=(n // bt,),
        in_specs=[pl.BlockSpec((bt, d), lambda i: (i, 0)),
                  pl.BlockSpec((bt, d), lambda i: (i, 0))],
        out_specs=pl.BlockSpec((bt, d), lambda i: (i, 0)),
    )(a, b)


def kernel(x, edge_index):
    src = edge_index[0]
    dst = edge_index[1]
    p0, p1 = _sc_partial_sums(x, src, dst)
    return _tc_add(p0, p1)

# --- scband reference (transcript-rebuilt; emitter-appended) ---
"""Pipeline reference for scband-message-passing-26096221291259 (READ-ONLY COPY).

The authoritative reference and input builder live on the scoring server;
editing this copy changes nothing except your own understanding.
"""

import jax, jax.numpy as jnp
import numpy as np

N_NODES = 10000
N_EDGES = 320000
D_FEAT = 128


def setup_inputs(seed: int = 0) -> dict:
    key = jax.random.key(seed)
    k1, k2 = jax.random.split(key)
    x = jax.random.normal(k1, (N_NODES, D_FEAT), dtype=jnp.float32)
    edge_index = jax.random.randint(k2, (2, N_EDGES), 0, N_NODES, dtype=jnp.int64 if jax.config.jax_enable_x64 else jnp.int32).astype(jnp.int32)
    return {"x": x, "edge_index": edge_index}


def reference(x, edge_index):
    # MessagePassing(aggr='add', flow='source_to_target', node_dim=0):
    #   i, j = 1, 0  (source_to_target)
    #   message(x_j) = x[edge_index[j]]  (default message returns x_j)
    #   aggregate: scatter-add of messages into index = edge_index[i]
    #   update: identity
    src = edge_index[0]  # j: source nodes (message senders)
    dst = edge_index[1]  # i: target nodes (message receivers / aggregation index)
    msgs = jnp.take(x, src, axis=0)                       # gather x_j, shape [E, d]
    out = jax.ops.segment_sum(msgs, dst, num_segments=x.shape[0])  # scatter-add
    return out

if __name__ == "__main__":
    import jax
    _d = setup_inputs()
    print(jax.jit(kernel)(*tuple(_d.values())))

</pallas_src>

<mosaic_0001>
#map = affine_map<(d0, d1) -> (0, 0)>
#map1 = affine_map<(d0, d1) -> (0)>
module attributes {stable_mosaic.version = 14 : i64} {
  func.func @sc_kern(%arg0: i32, %arg1: i32, %arg2: memref<10000x128xf32, #tpu.memory_space<hbm>>, %arg3: memref<320000xi32, #tpu.memory_space<hbm>>, %arg4: memref<320000xi32, #tpu.memory_space<hbm>>, %arg5: memref<10000x128xf32, #tpu.memory_space<hbm>>, %arg6: memref<10000x128xf32, #tpu.memory_space<hbm>>, %arg7: memref<80xi32, #tpu.memory_space<vmem>>, %arg8: memref<80xi32, #tpu.memory_space<vmem>>, %arg9: memref<80x128xf32, #tpu.memory_space<vmem>>, %arg10: memref<80x128xf32, #tpu.memory_space<vmem>>, %arg11: memref<10000x128xf32, #tpu.memory_space<vmem_shared>>, %arg12: memref<!tpu.dma_semaphore, #tpu.memory_space<semaphore_mem>>) attributes {dimension_semantics = [#tpu.dimension_semantics<core_parallel>, #tpu.dimension_semantics<subcore_parallel>], iteration_bounds = array<i64: 2, 16>, scalar_prefetch = 0 : i64, scratch_operands = 6 : i64, tpu.core_type = #tpu.core_type<sc_vector_subcore>, window_params = [{transform_indices = #map}, {transform_indices = #map1}, {transform_indices = #map1}, {transform_indices = #map}, {transform_indices = #map}]} {
    %scan3A = arith.constant 0 : i32
    %scan3A_0 = arith.constant 80 : i32
    %scan3A_1 = arith.addi %scan3A, %scan3A_0 : i32
    %scan3A_2 = arith.constant 1 : i32
    scf.for %scan3A_20 = %scan3A to %scan3A_1 step %scan3A_2  : i32 {
      %mul3A = arith.constant 1 : i32
      %mul3A_21 = arith.muli %scan3A_20, %mul3A : i32
      %add3A = arith.constant 0 : i32
      %add3A_22 = arith.addi %add3A, %mul3A_21 : i32
      %scan3A_23 = arith.constant 0 : i32
      %scan3A_24 = arith.constant 8 : i32
      %scan3A_25 = arith.addi %scan3A_23, %scan3A_24 : i32
      %scan3A_26 = arith.constant 1 : i32
      scf.for %scan3A_28 = %scan3A_23 to %scan3A_25 step %scan3A_26  : i32 {
        %mul3A_29 = arith.constant 16 : i32
        %mul3A_30 = arith.muli %scan3A_28, %mul3A_29 : i32
        %add3A_31 = arith.constant 0 : i32
        %add3A_32 = arith.addi %add3A_31, %mul3A_30 : i32
        %broadcast_in_dim3A = arith.constant 0.000000e+00 : f32
        %broadcast_in_dim3A_33 = vector.broadcast %broadcast_in_dim3A : f32 to vector<16xf32>
        %swap3A = arith.index_cast %add3A_22 : i32 to index
        %swap3A_34 = arith.index_cast %add3A_32 : i32 to index
        %swap3A_35 = tpu.vector_load %arg10[%swap3A, %swap3A_34] {strides = array<i32>} : memref<80x128xf32, #tpu.memory_space<vmem>>, vector<1x16xf32>,
        %swap3A_36 = vector.shape_cast %swap3A_35 : vector<1x16xf32> to vector<16xf32>
        %swap3A_37 = vector.shape_cast %broadcast_in_dim3A_33 : vector<16xf32> to vector<1x16xf32>
        tpu.vector_store %arg10[%swap3A, %swap3A_34], %swap3A_37 {strides = array<i32>} : memref<80x128xf32, #tpu.memory_space<vmem>>, vector<1x16xf32>,
      }
      %scan3A_27 = arith.constant 8 : i32
    }
    %scan3A_3 = arith.constant 80 : i32
    %scan3A_4 = arith.constant 0 : i32
    %scan3A_5 = arith.constant 8 : i32
    %scan3A_6 = arith.addi %scan3A_4, %scan3A_5 : i32
    %scan3A_7 = arith.constant 1 : i32
    scf.for %scan3A_20 = %scan3A_4 to %scan3A_6 step %scan3A_7  : i32 {
      %mul3A = arith.constant 1 : i32
      %mul3A_21 = arith.muli %scan3A_20, %mul3A : i32
      %add3A = arith.constant 0 : i32
      %add3A_22 = arith.addi %add3A, %mul3A_21 : i32
      %mul3A_23 = arith.constant 16 : i32
      %mul3A_24 = arith.muli %add3A_22, %mul3A_23 : i32
      %add3A_25 = arith.addi %mul3A_24, %arg1 : i32
      %lt3A = arith.constant 125 : i32
      %lt3A_26 = arith.cmpi slt, %add3A_25, %lt3A : i32
      %convert_element_type3A = arith.extui %lt3A_26 : i1 to i32
      %cond3A = arith.constant 0 : i32
      %cond3A_27 = arith.cmpi ne, %convert_element_type3A, %cond3A : i32
      scf.if %cond3A_27 {
        %mul3A_28 = arith.constant 80 : i32
        %mul3A_29 = arith.muli %add3A_25, %mul3A_28 : i32
        "tpu.region"() ({
          %run_scoped3A = tpu.sem_alloc : memref<!tpu.dma_semaphore, #tpu.memory_space<semaphore_mem>>
          %dma_start3A = arith.constant 0 : i32
          %dma_start3A_30 = tpu.memref_slice %arg11[%mul3A_29, %dma_start3A] : memref<10000x128xf32, #tpu.memory_space<vmem_shared>> -> memref<80x128xf32, #tpu.memory_space<vmem_shared>>
          %dma_start3A_31 = arith.constant 0 : i32
          %dma_start3A_32 = tpu.memref_slice %arg11[%mul3A_29, %dma_start3A_31] : memref<10000x128xf32, #tpu.memory_space<vmem_shared>> -> memref<80x128xf32, #tpu.memory_space<vmem_shared>>
          tpu.enqueue_dma source(%arg10 : memref<80x128xf32, #tpu.memory_space<vmem>>) target(%dma_start3A_32 : memref<80x128xf32, #tpu.memory_space<vmem_shared>>) target_semaphore(%run_scoped3A : memref<!tpu.dma_semaphore, #tpu.memory_space<semaphore_mem>>)
          %dma_wait3A = arith.constant 0 : i32
          %dma_wait3A_33 = tpu.memref_slice %arg11[%mul3A_29, %dma_wait3A] : memref<10000x128xf32, #tpu.memory_space<vmem_shared>> -> memref<80x128xf32, #tpu.memory_space<vmem_shared>>
          %dma_wait3A_34 = arith.constant 0 : i32
          %dma_wait3A_35 = tpu.memref_slice %arg11[%mul3A_29, %dma_wait3A_34] : memref<10000x128xf32, #tpu.memory_space<vmem_shared>> -> memref<80x128xf32, #tpu.memory_space<vmem_shared>>
          tpu.wait_dma2 semaphore(%run_scoped3A : memref<!tpu.dma_semaphore, #tpu.memory_space<semaphore_mem>>) src(%arg10 : memref<80x128xf32, #tpu.memory_space<vmem>>) dst(%dma_wait3A_35 : memref<80x128xf32, #tpu.memory_space<vmem_shared>>)
          tpu.yield
        }) : () -> ()
      } else {
      }
    }
    %scan3A_8 = arith.constant 8 : i32
    %barrier3A = arith.constant 0 : index
    tpu.barrier barrier_id(%barrier3A)
    %scan3A_9 = arith.constant 0 : i32
    %scan3A_10 = arith.constant 125 : i32
    %scan3A_11 = arith.addi %scan3A_9, %scan3A_10 : i32
    %scan3A_12 = arith.constant 1 : i32
    scf.for %scan3A_20 = %scan3A_9 to %scan3A_11 step %scan3A_12  : i32 {
      %mul3A = arith.constant 80 : i32
      %mul3A_21 = arith.muli %scan3A_20, %mul3A : i32
      %add3A = arith.constant 0 : i32
      %add3A_22 = arith.addi %add3A, %mul3A_21 : i32
      %mul3A_23 = arith.constant 160000 : i32
      %mul3A_24 = arith.muli %arg0, %mul3A_23 : i32
      %mul3A_25 = arith.constant 10000 : i32
      %mul3A_26 = arith.muli %arg1, %mul3A_25 : i32
      %add3A_27 = arith.addi %mul3A_24, %mul3A_26 : i32
      %add3A_28 = arith.addi %add3A_27, %add3A_22 : i32
      "tpu.region"() ({
        %run_scoped3A = tpu.sem_alloc : memref<!tpu.dma_semaphore, #tpu.memory_space<semaphore_mem>>
        %dma_start3A_33 = tpu.memref_slice %arg3[%add3A_28] : memref<320000xi32, #tpu.memory_space<hbm>> -> memref<80xi32, #tpu.memory_space<hbm>>
        %dma_start3A_34 = tpu.memref_slice %arg3[%add3A_28] : memref<320000xi32, #tpu.memory_space<hbm>> -> memref<80xi32, #tpu.memory_space<hbm>>
        tpu.enqueue_dma source(%dma_start3A_34 : memref<80xi32, #tpu.memory_space<hbm>>) target(%arg7 : memref<80xi32, #tpu.memory_space<vmem>>) target_semaphore(%run_scoped3A : memref<!tpu.dma_semaphore, #tpu.memory_space<semaphore_mem>>)
        %dma_wait3A_35 = tpu.memref_slice %arg3[%add3A_28] : memref<320000xi32, #tpu.memory_space<hbm>> -> memref<80xi32, #tpu.memory_space<hbm>>
        %dma_wait3A_36 = tpu.memref_slice %arg3[%add3A_28] : memref<320000xi32, #tpu.memory_space<hbm>> -> memref<80xi32, #tpu.memory_space<hbm>>
        tpu.wait_dma2 semaphore(%run_scoped3A : memref<!tpu.dma_semaphore, #tpu.memory_space<semaphore_mem>>) src(%dma_wait3A_36 : memref<80xi32, #tpu.memory_space<hbm>>) dst(%arg7 : memref<80xi32, #tpu.memory_space<vmem>>)
        tpu.yield
      }) : () -> ()
      "tpu.region"() ({
        %run_scoped3A = tpu.sem_alloc : memref<!tpu.dma_semaphore, #tpu.memory_space<semaphore_mem>>
        %dma_start3A_33 = tpu.memref_slice %arg4[%add3A_28] : memref<320000xi32, #tpu.memory_space<hbm>> -> memref<80xi32, #tpu.memory_space<hbm>>
        %dma_start3A_34 = tpu.memref_slice %arg4[%add3A_28] : memref<320000xi32, #tpu.memory_space<hbm>> -> memref<80xi32, #tpu.memory_space<hbm>>
        tpu.enqueue_dma source(%dma_start3A_34 : memref<80xi32, #tpu.memory_space<hbm>>) target(%arg8 : memref<80xi32, #tpu.memory_space<vmem>>) target_semaphore(%run_scoped3A : memref<!tpu.dma_semaphore, #tpu.memory_space<semaphore_mem>>)
        %dma_wait3A_35 = tpu.memref_slice %arg4[%add3A_28] : memref<320000xi32, #tpu.memory_space<hbm>> -> memref<80xi32, #tpu.memory_space<hbm>>
        %dma_wait3A_36 = tpu.memref_slice %arg4[%add3A_28] : memref<320000xi32, #tpu.memory_space<hbm>> -> memref<80xi32, #tpu.memory_space<hbm>>
        tpu.wait_dma2 semaphore(%run_scoped3A : memref<!tpu.dma_semaphore, #tpu.memory_space<semaphore_mem>>) src(%dma_wait3A_36 : memref<80xi32, #tpu.memory_space<hbm>>) dst(%arg8 : memref<80xi32, #tpu.memory_space<vmem>>)
        tpu.yield
      }) : () -> ()
      %dma_start3A = arith.constant 0 : i32
      %dma_start3A_29 = arith.constant 0 : i32
      %dma_start3A_30 = tpu.memref_slice %arg2[%dma_start3A, %dma_start3A_29] : memref<10000x128xf32, #tpu.memory_space<hbm>> -> memref<10000x128xf32, #tpu.memory_space<hbm>>
      tpu.enqueue_indirect_dma source(%dma_start3A_30 : memref<10000x128xf32, #tpu.memory_space<hbm>>) target(%arg9 : memref<80x128xf32, #tpu.memory_space<vmem>>) offsets(%arg7 : memref<80xi32, #tpu.memory_space<vmem>>) semaphore(%arg12 : memref<!tpu.dma_semaphore, #tpu.memory_space<semaphore_mem>>)
      %dma_wait3A = arith.constant 0 : i32
      %dma_wait3A_31 = arith.constant 0 : i32
      %dma_wait3A_32 = tpu.memref_slice %arg2[%dma_wait3A, %dma_wait3A_31] : memref<10000x128xf32, #tpu.memory_space<hbm>> -> memref<10000x128xf32, #tpu.memory_space<hbm>>
      tpu.wait_indirect_dma semaphore(%arg12 : memref<!tpu.dma_semaphore, #tpu.memory_space<semaphore_mem>>) src(%dma_wait3A_32 : memref<10000x128xf32, #tpu.memory_space<hbm>>) dst(%arg9 : memref<80x128xf32, #tpu.memory_space<vmem>>)
      "tpu.region"() ({
        %run_scoped3A = tpu.sem_alloc : memref<!tpu.dma_semaphore, #tpu.memory_space<semaphore_mem>>
        %dma_start3A_33 = arith.constant 0 : i32
        %dma_start3A_34 = arith.constant 0 : i32
        %dma_start3A_35 = tpu.memref_slice %arg11[%dma_start3A_33, %dma_start3A_34] : memref<10000x128xf32, #tpu.memory_space<vmem_shared>> -> memref<10000x128xf32, #tpu.memory_space<vmem_shared>>
        tpu.enqueue_indirect_dma source(%arg9 : memref<80x128xf32, #tpu.memory_space<vmem>>) target(%dma_start3A_35 : memref<10000x128xf32, #tpu.memory_space<vmem_shared>>) offsets(%arg8 : memref<80xi32, #tpu.memory_space<vmem>>) semaphore(%run_scoped3A : memref<!tpu.dma_semaphore, #tpu.memory_space<semaphore_mem>>) {add = true}
        %dma_wait3A_36 = arith.constant 0 : i32
        %dma_wait3A_37 = arith.constant 0 : i32
        %dma_wait3A_38 = tpu.memref_slice %arg11[%dma_wait3A_36, %dma_wait3A_37] : memref<10000x128xf32, #tpu.memory_space<vmem_shared>> -> memref<10000x128xf32, #tpu.memory_space<vmem_shared>>
        tpu.wait_indirect_dma semaphore(%run_scoped3A : memref<!tpu.dma_semaphore, #tpu.memory_space<semaphore_mem>>) src(%arg9 : memref<80x128xf32, #tpu.memory_space<vmem>>) dst(%dma_wait3A_38 : memref<10000x128xf32, #tpu.memory_space<vmem_shared>>)
        tpu.yield
      }) : () -> ()
    }
    %scan3A_13 = arith.constant 125 : i32
    %barrier3A_14 = arith.constant 0 : index
    tpu.barrier barrier_id(%barrier3A_14)
    %scan3A_15 = arith.constant 0 : i32
    %scan3A_16 = arith.constant 8 : i32
    %scan3A_17 = arith.addi %scan3A_15, %scan3A_16 : i32
    %scan3A_18 = arith.constant 1 : i32
    scf.for %scan3A_20 = %scan3A_15 to %scan3A_17 step %scan3A_18  : i32 {
      %mul3A = arith.constant 1 : i32
      %mul3A_21 = arith.muli %scan3A_20, %mul3A : i32
      %add3A = arith.constant 0 : i32
      %add3A_22 = arith.addi %add3A, %mul3A_21 : i32
      %mul3A_23 = arith.constant 16 : i32
      %mul3A_24 = arith.muli %add3A_22, %mul3A_23 : i32
      %add3A_25 = arith.addi %mul3A_24, %arg1 : i32
      %lt3A = arith.constant 125 : i32
      %lt3A_26 = arith.cmpi slt, %add3A_25, %lt3A : i32
      %convert_element_type3A = arith.extui %lt3A_26 : i1 to i32
      %cond3A = arith.constant 0 : i32
      %cond3A_27 = arith.cmpi ne, %convert_element_type3A, %cond3A : i32
      scf.if %cond3A_27 {
        %mul3A_28 = arith.constant 80 : i32
        %mul3A_29 = arith.muli %add3A_25, %mul3A_28 : i32
        "tpu.region"() ({
          %run_scoped3A = tpu.sem_alloc : memref<!tpu.dma_semaphore, #tpu.memory_space<semaphore_mem>>
          %dma_start3A = arith.constant 0 : i32
          %dma_start3A_39 = tpu.memref_slice %arg11[%mul3A_29, %dma_start3A] : memref<10000x128xf32, #tpu.memory_space<vmem_shared>> -> memref<80x128xf32, #tpu.memory_space<vmem_shared>>
          %dma_start3A_40 = arith.constant 0 : i32
          %dma_start3A_41 = tpu.memref_slice %arg11[%mul3A_29, %dma_start3A_40] : memref<10000x128xf32, #tpu.memory_space<vmem_shared>> -> memref<80x128xf32, #tpu.memory_space<vmem_shared>>
          tpu.enqueue_dma source(%dma_start3A_41 : memref<80x128xf32, #tpu.memory_space<vmem_shared>>) target(%arg10 : memref<80x128xf32, #tpu.memory_space<vmem>>) target_semaphore(%run_scoped3A : memref<!tpu.dma_semaphore, #tpu.memory_space<semaphore_mem>>)
          %dma_wait3A = arith.constant 0 : i32
          %dma_wait3A_42 = tpu.memref_slice %arg11[%mul3A_29, %dma_wait3A] : memref<10000x128xf32, #tpu.memory_space<vmem_shared>> -> memref<80x128xf32, #tpu.memory_space<vmem_shared>>
          %dma_wait3A_43 = arith.constant 0 : i32
          %dma_wait3A_44 = tpu.memref_slice %arg11[%mul3A_29, %dma_wait3A_43] : memref<10000x128xf32, #tpu.memory_space<vmem_shared>> -> memref<80x128xf32, #tpu.memory_space<vmem_shared>>
          tpu.wait_dma2 semaphore(%run_scoped3A : memref<!tpu.dma_semaphore, #tpu.memory_space<semaphore_mem>>) src(%dma_wait3A_44 : memref<80x128xf32, #tpu.memory_space<vmem_shared>>) dst(%arg10 : memref<80x128xf32, #tpu.memory_space<vmem>>)
          tpu.yield
        }) : () -> ()
        %eq3A = arith.constant 0 : i32
        %eq3A_30 = arith.cmpi eq, %arg0, %eq3A : i32
        %convert_element_type3A_31 = arith.extui %eq3A_30 : i1 to i32
        %cond3A_32 = arith.constant 0 : i32
        %cond3A_33 = arith.cmpi ne, %convert_element_type3A_31, %cond3A_32 : i32
        scf.if %cond3A_33 {
          "tpu.region"() ({
            %run_scoped3A = tpu.sem_alloc : memref<!tpu.dma_semaphore, #tpu.memory_space<semaphore_mem>>
            %dma_start3A = arith.constant 0 : i32
            %dma_start3A_39 = tpu.memref_slice %arg5[%mul3A_29, %dma_start3A] : memref<10000x128xf32, #tpu.memory_space<hbm>> -> memref<80x128xf32, #tpu.memory_space<hbm>>
            %dma_start3A_40 = arith.constant 0 : i32
            %dma_start3A_41 = tpu.memref_slice %arg5[%mul3A_29, %dma_start3A_40] : memref<10000x128xf32, #tpu.memory_space<hbm>> -> memref<80x128xf32, #tpu.memory_space<hbm>>
            tpu.enqueue_dma source(%arg10 : memref<80x128xf32, #tpu.memory_space<vmem>>) target(%dma_start3A_41 : memref<80x128xf32, #tpu.memory_space<hbm>>) target_semaphore(%run_scoped3A : memref<!tpu.dma_semaphore, #tpu.memory_space<semaphore_mem>>)
            %dma_wait3A = arith.constant 0 : i32
            %dma_wait3A_42 = tpu.memref_slice %arg5[%mul3A_29, %dma_wait3A] : memref<10000x128xf32, #tpu.memory_space<hbm>> -> memref<80x128xf32, #tpu.memory_space<hbm>>
            %dma_wait3A_43 = arith.constant 0 : i32
            %dma_wait3A_44 = tpu.memref_slice %arg5[%mul3A_29, %dma_wait3A_43] : memref<10000x128xf32, #tpu.memory_space<hbm>> -> memref<80x128xf32, #tpu.memory_space<hbm>>
            tpu.wait_dma2 semaphore(%run_scoped3A : memref<!tpu.dma_semaphore, #tpu.memory_space<semaphore_mem>>) src(%arg10 : memref<80x128xf32, #tpu.memory_space<vmem>>) dst(%dma_wait3A_44 : memref<80x128xf32, #tpu.memory_space<hbm>>)
            tpu.yield
          }) : () -> ()
        } else {
        }
        %eq3A_34 = arith.constant 1 : i32
        %eq3A_35 = arith.cmpi eq, %arg0, %eq3A_34 : i32
        %convert_element_type3A_36 = arith.extui %eq3A_35 : i1 to i32
        %cond3A_37 = arith.constant 0 : i32
        %cond3A_38 = arith.cmpi ne, %convert_element_type3A_36, %cond3A_37 : i32
        scf.if %cond3A_38 {
          "tpu.region"() ({
            %run_scoped3A = tpu.sem_alloc : memref<!tpu.dma_semaphore, #tpu.memory_space<semaphore_mem>>
            %dma_start3A = arith.constant 0 : i32
            %dma_start3A_39 = tpu.memref_slice %arg6[%mul3A_29, %dma_start3A] : memref<10000x128xf32, #tpu.memory_space<hbm>> -> memref<80x128xf32, #tpu.memory_space<hbm>>
            %dma_start3A_40 = arith.constant 0 : i32
            %dma_start3A_41 = tpu.memref_slice %arg6[%mul3A_29, %dma_start3A_40] : memref<10000x128xf32, #tpu.memory_space<hbm>> -> memref<80x128xf32, #tpu.memory_space<hbm>>
            tpu.enqueue_dma source(%arg10 : memref<80x128xf32, #tpu.memory_space<vmem>>) target(%dma_start3A_41 : memref<80x128xf32, #tpu.memory_space<hbm>>) target_semaphore(%run_scoped3A : memref<!tpu.dma_semaphore, #tpu.memory_space<semaphore_mem>>)
            %dma_wait3A = arith.constant 0 : i32
            %dma_wait3A_42 = tpu.memref_slice %arg6[%mul3A_29, %dma_wait3A] : memref<10000x128xf32, #tpu.memory_space<hbm>> -> memref<80x128xf32, #tpu.memory_space<hbm>>
            %dma_wait3A_43 = arith.constant 0 : i32
            %dma_wait3A_44 = tpu.memref_slice %arg6[%mul3A_29, %dma_wait3A_43] : memref<10000x128xf32, #tpu.memory_space<hbm>> -> memref<80x128xf32, #tpu.memory_space<hbm>>
            tpu.wait_dma2 semaphore(%run_scoped3A : memref<!tpu.dma_semaphore, #tpu.memory_space<semaphore_mem>>) src(%arg10 : memref<80x128xf32, #tpu.memory_space<vmem>>) dst(%dma_wait3A_44 : memref<80x128xf32, #tpu.memory_space<hbm>>)
            tpu.yield
          }) : () -> ()
        } else {
        }
      } else {
      }
    }
    %scan3A_19 = arith.constant 8 : i32
    return
  }
}

module attributes {stable_mosaic.version = 14 : i64} {
  func.func @body(%arg0: i32, %arg1: memref<1000x128xf32, #tpu.memory_space<vmem>>, %arg2: memref<1000x128xf32, #tpu.memory_space<vmem>>, %arg3: memref<1000x128xf32, #tpu.memory_space<vmem>>) attributes {dimension_semantics = [#tpu.dimension_semantics<arbitrary>], iteration_bounds = array<i64: 10>, scalar_prefetch = 0 : i64, scratch_operands = 0 : i64, tpu.core_type = #tpu.core_type<tc>, window_params = [{transform_indices = @transform_0, window_bounds = array<i64: 1000, 128>}, {transform_indices = @transform_1, window_bounds = array<i64: 1000, 128>}, {transform_indices = @transform_2, window_bounds = array<i64: 1000, 128>}]} {
    %get3A = arith.constant 0 : index
    %get3A_0 = arith.constant 0 : index
    %get3A_1 = vector.load %arg1[%get3A, %get3A_0] : memref<1000x128xf32, #tpu.memory_space<vmem>>, vector<1000x128xf32>
    %get3A_2 = arith.constant 0 : index
    %get3A_3 = arith.constant 0 : index
    %get3A_4 = vector.load %arg2[%get3A_2, %get3A_3] : memref<1000x128xf32, #tpu.memory_space<vmem>>, vector<1000x128xf32>
    %add3A = arith.addf %get3A_1, %get3A_4 : vector<1000x128xf32>
    %swap3A = arith.constant 0 : index
    %swap3A_5 = arith.constant 0 : index
    %swap3A_6 = vector.load %arg3[%swap3A, %swap3A_5] : memref<1000x128xf32, #tpu.memory_space<vmem>>, vector<1000x128xf32>
    tpu.vector_store %arg3[%swap3A, %swap3A_5], %add3A {strides = array<i32>} : memref<1000x128xf32, #tpu.memory_space<vmem>>, vector<1000x128xf32>,
    return
  }
  func.func @transform_0(%arg0: i32) -> (i32, i32) {
    %c0_i32 = arith.constant 0 : i32
    %c0_i32_0 = arith.constant 0 : i32
    return %arg0, %c0_i32 : i32, i32
  }
  func.func @transform_1(%arg0: i32) -> (i32, i32) {
    %c0_i32 = arith.constant 0 : i32
    %c0_i32_0 = arith.constant 0 : i32
    return %arg0, %c0_i32 : i32, i32
  }
  func.func @transform_2(%arg0: i32) -> (i32, i32) {
    %c0_i32 = arith.constant 0 : i32
    %c0_i32_0 = arith.constant 0 : i32
    return %arg0, %c0_i32 : i32, i32
  }
}

</mosaic_0001>

<sc_bundles>
// kernel: kernel.4.cloned.1.call-start
scs
__scs_entry_jumppad:
0x0: {  	(pc) =	sbr.rel $0x88, $3  }
0x1: {  	(tag) =	ssettag $0x0;
	lr =	simm.s32 $0x1  }
0x2: {  	[smem:$0x3F9F] =	sst lr;
	_ =	strace $0xD0000000  }
0x3: {  	_ = 	snop  }
0x4: {  	_ = 	snop  }
0x5: {  	_ = 	snop  }
0x6: {  	_ = 	snop  }
0x7: {  	_ = 	snop  }
__scs_overlays_trampoline_lowered:
0x8: {  	[smem:$0x3FAE] =	sst s0  }
0x9: {  	[smem:$0x3FAF] =	sst s1  }
0xa: {  	[smem:$0x3FB0] =	sst s2  }
0xb: {  	[smem:$0x3FB1] =	sst s3  }
0xc: {  	[smem:$0x3FB2] =	sst s4  }
0xd: {  	[smem:$0x3FB3] =	sst s5  }
0xe: {  	[smem:$0x3FB4] =	sst s6  }
0xf: {  	[smem:$0x3FB5] =	sst s7  }
0x10: {  	[smem:$0x3FB6] =	sst s8  }
0x11: {  	[smem:$0x3FB7] =	sst s9;
	s0 =	simm.s32 @!p0 $0x0  }
0x12: {  	s1 =	sld [smem:$0x3F9D];
	s0 =	simm.s32 @p0 $0x1  }
0x13: {  	[smem:$0x3FB8] =	sst s0;
	s0 =	simm.s32 @!p1 $0x0  }
0x14: {  	s2 =	sld [smem:$0x3F9C];
	s0 =	simm.s32 @p1 $0x1  }
0x15: {  	[smem:$0x3FB9] =	sst s0;
	s0 =	simm.s32 @!p2 $0x0  }
0x16: {  	s3 =	sld [smem:$0x3FDB];
	s0 =	simm.s32 @p2 $0x1  }
0x17: {  	s4 =	simm.s32 $0x1BF5;
	[smem:$0x3FBB] =	sst s0  }
0x18: {  	s0 =	sld [smem:$0x3F9E];
	_ =	swait.ge [sflag:s4], $0x0  }
0x19: {  	s7 =	sld [smem:$0x3F9F]  }
0x1a: {  	s8 =	sadd.s32 $0xFFFFE003, lr  }
0x1b: {  	s9 =	sadd.s32 $0xFFFFFEF7, lr;
	s5 =	simm.s32 $0xFFFFFFFF;
	p2 =	slt.u32 s8, $0xFFFFF086  }
0x1c: {  	p1 =	slt.u32 s9, $0xF7A;
	s5 =	simm.s32 @!p2 $0x0  }
0x1d: {  	s5 =	simm.s32 @p1 $0x1;
	p0 =	seq.s32 s7, s2  }
0x1e: {  	s7 =	smul.u32 @!p0 $0xF7A, s2;
	p2 =	seq.s32 @!p0 s5, $0x0  }
0x1f: {  	s9 =	smul.u32 $0xF7A, s1;
	s8 =	simm.s32 @!p0 $0x1BF5;
	p2 =	por !p2, p0  }
0x20: {  	[sflag:s8] =	ssyncset.s32 @!p0 $0xFFFFF086;
	s6 =	sadd.s32 @!p0 s3, s7;
	s7 =	simm.s32 @!p0 $0x108  }
0x21: {  	s3 =	sadd.s32 s3, s9;
	s6 =	sadd.s32 @!p0 $0x88, s6;
	s7 =	simm.s32 @p2 $0x1082  }
0x22: {  	[simem:s7], [sflag:s8] =	dma.local @!p0 [hbm:s6], $0xF7A  }
0x23: {  	s9 =	sor.u32 $0xD0000000, s2;
	s6 =	simm.s32 $0x108;
	_ =	swait.ge @!p0 [sflag:s8], $0x0  }
0x24: {  	s3 =	sadd.s32 $0x88, s3;
	s6 =	simm.s32 @!p1 $0x1082;
	[sflag:s4] =	ssyncset.s32 $0xFFFFF086  }
0x25: {  	[simem:s6], [sflag:s4] =	dma.local [hbm:s3], $0xF7A  }
0x26: {  	[smem:$0x3F9F] =	sst s1;
	(tag) =	ssettag s2;
	_ =	strace s9  }
0x27: {  	s1 =	sld [smem:$0x3FAF]  }
0x28: {  	s2 =	sld [smem:$0x3FB0]  }
0x29: {  	s4 =	sld [smem:$0x3FB2]  }
0x2a: {  	p0 =	seq.s32 s5, $0x0;
	s5 =	sld [smem:$0x3FB3]  }
0x2b: {  	s6 =	sld [smem:$0x3FB4]  }
0x2c: {  	s7 =	sld [smem:$0x3FB5]  }
0x2d: {  	s3 =	simm.s32 $0x108;
	s8 =	sld [smem:$0x3FB6]  }
0x2e: {  	s3 =	simm.s32 @!p0 $0x1082;
	s9 =	sld [smem:$0x3FB7]  }
0x2f: {  	lr =	sadd.s32 s0, s3;
	s0 =	sld [smem:$0x3FAE]  }
0x30: {  	s3 =	sld [smem:$0x3FB1]  }
0x31: {  	[smem:$0x3FBA] =	sst s10  }
0x32: {  	s10 =	sld [smem:$0x3FB8];
	_ =	sdelay $0x3  }
0x33: {  	p0 =	seq.s32 s10, $0x1;
	s10 =	sld [smem:$0x3FBA];
	_ =	sdelay $0x3  }
0x34: {  	[smem:$0x3FBA] =	sst s10  }
0x35: {  	s10 =	sld [smem:$0x3FB9];
	_ =	sdelay $0x3  }
0x36: {  	p1 =	seq.s32 s10, $0x1;
	s10 =	sld [smem:$0x3FBA];
	_ =	sdelay $0x3  }
0x37: {  	[smem:$0x3FBA] =	sst s10  }
0x38: {  	s10 =	sld [smem:$0x3FBB]  }
0x39: {  	_ = 	snop;
	(pc) =	sbr.ind lr, $3  }
0x3a: {  	_ = 	snop  }
0x3b: {  	_ = 	snop  }
0x3c: {  	p2 =	seq.s32 s10, $0x1;
	s10 =	sld [smem:$0x3FBA]  }
0x3d: {  	_ =	shalt  }
0x3e: {  	_ =	shalt  }
0x3f: {  	_ =	shalt  }
0x40: {  	_ =	shalt  }
0x41: {  	_ =	shalt  }
0x42: {  	_ =	shalt  }
0x43: {  	_ =	shalt  }
0x44: {  	_ =	shalt  }
0x45: {  	_ =	shalt  }
0x46: {  	_ =	shalt  }
0x47: {  	_ =	shalt  }
0x48: {  	_ =	shalt  }
0x49: {  	_ =	shalt  }
0x4a: {  	_ =	shalt  }
0x4b: {  	_ =	shalt  }
0x4c: {  	_ =	shalt  }
0x4d: {  	_ =	shalt  }
0x4e: {  	_ =	shalt  }
0x4f: {  	_ =	shalt  }
0x50: {  	_ =	shalt  }
0x51: {  	_ =	shalt  }
0x52: {  	_ =	shalt  }
0x53: {  	_ =	shalt  }
0x54: {  	_ =	shalt  }
0x55: {  	_ =	shalt  }
0x56: {  	_ =	shalt  }
0x57: {  	_ =	shalt  }
0x58: {  	_ =	shalt  }
0x59: {  	_ =	shalt  }
0x5a: {  	_ =	shalt  }
0x5b: {  	_ =	shalt  }
0x5c: {  	_ =	shalt  }
0x5d: {  	_ =	shalt  }
0x5e: {  	_ =	shalt  }
0x5f: {  	_ =	shalt  }
0x60: {  	_ =	shalt  }
0x61: {  	_ =	shalt  }
0x62: {  	_ =	shalt  }
0x63: {  	_ =	shalt  }
0x64: {  	_ =	shalt  }
0x65: {  	_ =	shalt  }
0x66: {  	_ =	shalt  }
0x67: {  	_ =	shalt  }
0x68: {  	_ =	shalt  }
0x69: {  	_ =	shalt  }
0x6a: {  	_ =	shalt  }
0x6b: {  	_ =	shalt  }
0x6c: {  	_ =	shalt  }
0x6d: {  	_ =	shalt  }
0x6e: {  	_ =	shalt  }
0x6f: {  	_ =	shalt  }
0x70: {  	_ =	shalt  }
0x71: {  	_ =	shalt  }
0x72: {  	_ =	shalt  }
0x73: {  	_ =	shalt  }
0x74: {  	_ =	shalt  }
0x75: {  	_ =	shalt  }
0x76: {  	_ =	shalt  }
0x77: {  	_ =	shalt  }
0x78: {  	_ =	shalt  }
0x79: {  	_ =	shalt  }
0x7a: {  	_ =	shalt  }
0x7b: {  	_ =	shalt  }
0x7c: {  	_ =	shalt  }
0x7d: {  	_ =	shalt  }
0x7e: {  	_ =	shalt  }
0x7f: {  	_ =	shalt  }
0x80: {  	_ =	shalt  }
0x81: {  	_ =	shalt  }
0x82: {  	_ =	shalt  }
0x83: {  	_ =	shalt  }
0x84: {  	_ =	shalt  }
0x85: {  	_ =	shalt  }
0x86: {  	_ =	shalt  }
0x87: {  	_ =	shalt  }
.Lfunc_end0:
.L_simem_size_0:
called_computation_lowered:
.L_overlay_start_0:
0x88: {  	s2 =	sld [smem:$0x3FD9]  }
0x89: {  	s3 =	sld [smem:$0x3FFE];
	_ =	sdelay $0x1  }
0x8a: {  	s1 =	srdreg.scid  }
0x8b: {  	s0 =	sand.u32 $0x1, s1  }
0x8c: {  	s17 =	sshll.u32 s0, $0xA;
	s2 =	sadd.s32 s3, s2  }
0x8d: {  	s2 =	sadd.s32 s2, s17  }
0x8e: {  	[smem:$0x3FC6] =	sst s2  }
0x8f: {  	_ = 	snop  }
0x90: {  	s2 =	sld [smem:$0x3FC9]  }
0x91: {  	s18 =	sld [smem:$0x3FD0];
	(tm) =	ssettm $0x1  }
0x92: {  	s4 =	sld [smem:$0x3FFB];
	_ =	sdelay $0x3  }
0x93: {  	_ =	strace s4  }
0x94: {  	s4 =	sld [smem:$0x3FFC];
	_ =	sdelay $0x3  }
0x95: {  	_ =	strace s4  }
0x96: {  	s4 =	sld [smem:$0x3FFD];
	_ =	sdelay $0x3  }
0x97: {  	_ =	strace s4  }
0x98: {  	_ =	strace $0x8FFFFFFF  }
0x99: {  	s19 =	sld [smem:$0x3FDB];
	_ =	sdelay $0x1  }
0x9a: {  	s5 =	simm.s32 $_scs_section_size  }
0x9b: {  	s6 =	simm.s32 $_size__tile_overlayer_lowered;
	s7 =	simm.s32 $_tile_overlayer_lowered  }
0x9c: {  	s22 =	simm.s32 $0x1BFF;
	s21 =	sshll.u32 s7, $0x1;
	s4 =	sadd.s32 s5, s19  }
0x9d: {  	s8 =	simm.s32 $0x0;
	s20 =	sshll.u32 s6, $0x1;
	s6 =	sadd.s32 s21, s4  }
0x9e: {  	[timem:s8], [sflag:s22] =	dma.local [hbm:s6], s20  }
0x9f: {  	_ =	swait.ge [sflag:s22], s20  }
0xa0: {  	s5 =	ssub.s32 $0x0, s20;
	[sflag:s22] =	ssyncset.done $0x0  }
0xa1: {  	[sflag:s22] =	ssyncadd.s32 s5;
	_ =	sdelay $0x1  }
0xa2: {  	s23 =	simm.s32 $0x1B8B  }
0xa3: {  	_ =	swait.ge [sflag:s23], $0x1  }
0xa4: {  	[sflag:s23] =	ssyncset.done $0x0  }
0xa5: {  	s25 =	simm.s32 $0x1B8E;
	s24 =	sld [smem:$0x3FFE];
	[sflag:s23] =	ssyncadd.s32 $0xFFFFFFFF  }
0xa6: {  	s26 =	simm.s32 $execute0_lowered;
	[smem:$0x3FD2] =	sst s25  }
0xa7: {  	s6 =	sshll.u32 s26, $0x1;
	_ =	strace $0x80000046;
	[dreg:$0x1] =	wrdreg $0xFFFFFFFF  }
0xa8: {  	s28 =	simm.s32 $_size_execute0_lowered;
	s4 =	sadd.s32 s4, s6;
	[dreg:$0x0] =	wrdreg $0x0  }
0xa9: {  	s6 =	sshll.u32 s28, $0x1;
	[dreg:$0x2] =	wrdreg s4  }
0xaa: {  	[dreg:$0x3] =	wrdreg s6  }
0xab: {  	[dreg:$0x4] =	wrdreg $0xC0  }
0xac: {  	_ =	task [dreg:s8], $0x5FFFF  }
0xad: {  	[dreg:$0x1] =	wrdreg $0xFFFFFFFF  }
0xae: {  	[dreg:$0x0] =	wrdreg $0x60  }
0xaf: {  	[dreg:$0x2] =	wrdreg s2  }
0xb0: {  	[dreg:$0x3] =	wrdreg s24  }
0xb1: {  	[dreg:$0x4] =	wrdreg s18  }
0xb2: {  	[dreg:$0x5] =	wrdreg $0x51000  }
0xb3: {  	[dreg:$0x6] =	wrdreg $0x9  }
0xb4: {  	_ =	task.clear_ibuf [dreg:s8], $0x7FFFF;
	_ =	strace $0x90000046  }
0xb5: {  	s29 =	simm.s32 $0x9;
	_ =	strace $0x80000048  }
0xb6: {  	_ =	swait.ge [sflag:s29], $0x1  }
0xb7: {  	[sflag:s29] =	ssyncadd.s32 $0xFFFFFFFF  }
0xb8: {  	_ =	strace $0x90000048  }
0xb9: {  	_ =	sfence  }
0xba: {  	s30 =	sld [smem:$0x0];
	_ =	sdelay $0x2  }
0xbb: {  	s31 =	sshll.u32 s1, $0xD;
	s1 =	sshrl.u32 s1, $0x2  }
0xbc: {  	s3 =	sand.u32 $0x4000, s31;
	s1 =	sadd.s32 s1, s30  }
0xbd: {  	s0 =	sor.u32 s3, s0;
	s1 =	sshll.u32 s1, $0x11  }
0xbe: {  	s0 =	sor.u32 s1, s0  }
0xbf: {  	s0 =	sadd.s32 $0x8F2B, s0  }
0xc0: {  	[sflag:s0] =	ssyncadd.remote.s32 $0x1  }
0xc1: {  	_ =	sfence.sel $0xFFFF  }
0xc2: {  	[dreg:$0x0] =	wrdreg $0xFFFFFFFF;
	(pc) =	sbr.abs _section_cstart, $3  }
0xc3: {  	[dreg:$0x1] =	wrdreg $0xFFFFFFFF  }
0xc4: {  	_ =	task.clear_ibuf [dreg:s8], $0x2FFFF;
	_ =	strace $0x9FFFFFFF  }
0xc5: {  	(tm) =	ssettm $0x7FFFFFFF  }
tec
execute0_lowered:
.L_overlay_start_1:
0x0: {  	(tag) =	ssettag $0x1  }
0x1: {  	s16 =	stileid.u32  }
0x2: {  	s7 =	smul.u32 $0x2710, s16  }
0x3: {  	s4 =	srdreg.scid;
	s24 =	smul.u32 $0xA000, s16  }
0x4: {  	s0 =	rddreg [dreg:$0x0];
	s5 =	sand.u32 $0x1, s4;
	s11 =	smul.u32 $0x500, s16  }
0x5: {  	s1 =	rddreg [dreg:$0x1];
	s8 =	sor.u32 $0x70, s16;
	s6 =	smul.u32 $0x27100, s5  }
0x6: {  	s2 =	rddreg [dreg:$0x2];
	s25 =	sor.u32 $0x10, s16;
	s9 =	smul.u32 $0xA000, s8  }
0x7: {  	s3 =	rddreg [dreg:$0x3];
	s18 =	smul.u32 $0xA000, s25  }
0x8: {  	s26 =	sor.u32 $0x20, s16;
	s17 =	sor.u32 $0x40, s16;
	s14 =	smul.u32 $0x500, s25  }
0x9: {  	s12 =	ssub.s32 $0x2, s5;
	p0 =	seq.s32 s5, $0x1;
	s5 =	smul.u32 $0xA000, s26  }
0xa: {  	s31 =	simm.s32 $0x2900;
	s19 =	sor.u32 $0x50, s16;
	s15 =	smul.u32 $0x500, s17  }
0xb: {  	s4 =	simm.s32 $0x0;
	s20 =	sor.u32 $0x60, s16;
	s22 =	smul.u32 $0x500, s19  }
0xc: {  	s13 =	sshrl.u32 s12, $0x1;
	s25 =	sshrl.u32 s24, $0x2;
	s24 =	smul.u32 $0x500, s20  }
0xd: {  	s21 =	sor.u32 $0x30, s16;
	s12 =	ssub.s32 s12, s13;
	s13 =	smul.u32 $0x500, s26  }
0xe: {  	[smem:$0x7FF] =	sst s4;
	p1 =	sgt.u32 s8, $0x7C;
	s26 =	smul.u32 $0x500, s21  }
0xf: {  	_ =	strace $0x80000047;
	s6 =	sadd.s32 s7, s6;
	s21 =	smul.u32 $0xA000, s21  }
0x10: {  	s5 =	sshrl.u32 s5, $0x2;
	s6 =	sshrl.u32 s6, $0x3;
	s12 =	smax.u32 s12, $0x1  }
0x11: {  	s10 =	sadd.s32 s6, s1;
	s1 =	sadd.s32 $0x14000, s1;
	[dreg:$0x5] =	wrdreg s12  }
0x12: {  	s6 =	sadd.s32 s25, s3;
	s25 =	smul.u32 $0x500, s8;
	s8 =	simm.s32 $0x1  }
0x13: {  	s2 =	smov.u32 @p0 s1;
	s23 =	sadd.s32 $0x28000, s6;
	s16 =	sadd.s32 $0x50000, s6  }
0x14: {  	s28 =	sadd.s32 $0xA0000, s6;
	s29 =	sadd.s32 $0xC8000, s6;
	s30 =	sadd.s32 $0xF0000, s6  }
0x15: {  	[dreg:$0x6] =	wrdreg s23;
	s11 =	sadd.s32 s2, s11;
	s14 =	sadd.s32 s2, s14  }
0x16: {  	s12 =	sadd.s32 s2, s13;
	s7 =	sadd.s32 s2, s26;
	[dreg:$0x7] =	wrdreg s11  }
0x17: {  	s26 =	sadd.s32 s2, s15;
	s13 =	smul.u32 $0xA000, s17;
	[dreg:$0x8] =	wrdreg s14  }
0x18: {  	s1 =	sadd.s32 s2, s22;
	s15 =	smul.u32 $0xA000, s19;
	[dreg:$0x9] =	wrdreg s12  }
0x19: {  	s22 =	sshrl.u32 s21, $0x2;
	s23 =	smul.u32 $0xA000, s20;
	[dreg:$0xa] =	wrdreg s7  }
0x1a: {  	s19 =	sadd.s32 s5, s3;
	s5 =	simm.s32 $0x50;
	[dreg:$0xb] =	wrdreg s26  }
0x1b: {  	[dreg:$0xc] =	wrdreg s1;
	s7 =	sadd.s32 s2, s24;
	s11 =	sadd.s32 s2, s25  }
0x1c: {  	s12 =	sshrl.u32 s9, $0x2;
	s14 =	sshrl.u32 s18, $0x2;
	s20 =	sadd.s32 s22, s3  }
0x1d: {  	s1 =	simm.s32 $0x2;
	s2 =	simm.s32 $0x80;
	[dreg:$0xd] =	wrdreg s7  }
0x1e: {  	s9 =	simm.s32 $0x3;
	[dreg:$0xe] =	wrdreg s11;
	s17 =	sadd.s32 s12, s3  }
0x1f: {  	s18 =	sadd.s32 s14, s3;
	s24 =	sshrl.u32 s13, $0x2;
	s25 =	sshrl.u32 s15, $0x2  }
0x20: {  	s26 =	sshrl.u32 s23, $0x2;
	s7 =	simm.s32 $0x100;
	s21 =	sadd.s32 s24, s3  }
0x21: {  	s22 =	sadd.s32 s25, s3;
	s23 =	sadd.s32 s26, s3;
	s24 =	sadd.s32 $0x400, s10  }
0x22: {  	v0 =	vimm.f32 $0.0e+00;
	s25 =	sadd.s32 $0xA200, s10;
	s26 =	sadd.s32 $0x78000, s6;
	s10 =	simm.s32 $0x0  }
.LBB2_1:
0x23: {  	s11 =	simm.s32 $0x70;
	s12 =	simm.s32 $0x3C0  }
.LBB2_2:
0x24: {  	p2 =	sne.s32 s12, $0x9FC0;
	[tilespmem:s11+$0x2900] =	vst v0  }
0x25: {  	[tilespmem:s11+$0x2890] =	vst v0  }
0x26: {  	[tilespmem:s11+$0x28A0] =	vst v0  }
.Ltmp0:
0x27: {  	[tilespmem:s11+$0x28B0] =	vst v0;
	(pc) =	sbr.rel @p2 .LBB2_2-.Ltmp0, $4  }
0x28: {  	[tilespmem:s11+$0x28C0] =	vst v0  }
0x29: {  	[tilespmem:s11+$0x28D0] =	vst v0  }
0x2a: {  	[tilespmem:s11+$0x28E0] =	vst v0  }
0x2b: {  	[tilespmem:s11+$0x28F0] =	vst v0;
	s11 =	sshra.s32 s12, $0x2;
	s12 =	sadd.s32 $0x200, s12  }
0x2c: {  	[tilespmem:s11+$0x2900] =	vst v0  }
0x2d: {  	[tilespmem:s11+$0x2890] =	vst v0  }
0x2e: {  	[tilespmem:s11+$0x28A0] =	vst v0  }
0x2f: {  	[tilespmem:s11+$0x28B0] =	vst v0  }
0x30: {  	[tilespmem:s11+$0x28C0] =	vst v0  }
0x31: {  	[tilespmem:s11+$0x28D0] =	vst v0  }
0x32: {  	[tilespmem:s11+$0x28E0] =	vst v0  }
0x33: {  	[tilespmem:s11+$0x28F0] =	vst v0  }
0x34: {  	[spmem:s6] =	stream.linear.scatter [tilespmem:s31], [sflag:$0x2], $0x2800, $0x38;
	[tilespmem:$0x18980] =	vst v63  }
0x35: {  	_ =	swait.ge [sflag:s1], $0x2800  }
0x36: {  	[sflag:s1] =	ssyncset.done $0x0  }
0x37: {  	s13 =	rddreg [dreg:$0x6];
	[sflag:s1] =	ssyncadd.s32 $0xFFFFD800  }
0x38: {  	[spmem:s13] =	stream.linear.scatter [tilespmem:s31], [sflag:$0x2], $0x2800, $0x38;
	[tilespmem:$0x18980] =	vst v63  }
0x39: {  	_ =	swait.ge [sflag:s1], $0x2800  }
0x3a: {  	[sflag:s1] =	ssyncset.done $0x0  }
0x3b: {  	[sflag:s1] =	ssyncadd.s32 $0xFFFFD800  }
0x3c: {  	[spmem:s16] =	stream.linear.scatter [tilespmem:s31], [sflag:$0x2], $0x2800, $0x38;
	[tilespmem:$0x18980] =	vst v63  }
0x3d: {  	_ =	swait.ge [sflag:s1], $0x2800  }
0x3e: {  	[sflag:s1] =	ssyncset.done $0x0  }
0x3f: {  	[sflag:s1] =	ssyncadd.s32 $0xFFFFD800  }
0x40: {  	[spmem:s26] =	stream.linear.scatter [tilespmem:s31], [sflag:$0x2], $0x2800, $0x38;
	[tilespmem:$0x18980] =	vst v63  }
0x41: {  	_ =	swait.ge [sflag:s1], $0x2800  }
0x42: {  	[sflag:s1] =	ssyncset.done $0x0  }
0x43: {  	[sflag:s1] =	ssyncadd.s32 $0xFFFFD800  }
0x44: {  	[spmem:s28] =	stream.linear.scatter [tilespmem:s31], [sflag:$0x2], $0x2800, $0x38;
	[tilespmem:$0x18980] =	vst v63  }
0x45: {  	_ =	swait.ge [sflag:s1], $0x2800  }
0x46: {  	[sflag:s1] =	ssyncset.done $0x0  }
0x47: {  	[sflag:s1] =	ssyncadd.s32 $0xFFFFD800  }
0x48: {  	[spmem:s29] =	stream.linear.scatter [tilespmem:s31], [sflag:$0x2], $0x2800, $0x38;
	[tilespmem:$0x18980] =	vst v63  }
0x49: {  	_ =	swait.ge [sflag:s1], $0x2800  }
0x4a: {  	[sflag:s1] =	ssyncset.done $0x0  }
0x4b: {  	[sflag:s1] =	ssyncadd.s32 $0xFFFFD800  }
0x4c: {  	[spmem:s30] =	stream.linear.scatter [tilespmem:s31], [sflag:$0x2], $0x2800, $0x38;
	[tilespmem:$0x18980] =	vst v63  }
0x4d: {  	_ =	swait.ge [sflag:s1], $0x2800  }
0x4e: {  	[sflag:s1] =	ssyncset.done $0x0  }
0x4f: {  	s11 =	simm.s32 @!p1 $0x2900;
	[sflag:s1] =	ssyncadd.s32 $0xFFFFD800  }
0x50: {  	[spmem:s17] =	stream.linear.scatter @!p1 [tilespmem:s11], [sflag:$0x2], $0x2800, $0x38;
	[tilespmem:$0x18980] =	vst v63  }
0x51: {  	s11 =	simm.s32 @!p1 $0x2  }
0x52: {  	_ =	swait.ge @!p1 [sflag:s11], $0x2800  }
0x53: {  	[sflag:s11] =	ssyncset.done @!p1 $0x0  }
0x54: {  	[sflag:s11] =	ssyncadd.s32 @!p1 $0xFFFFD800  }
0x55: {  	s14 =	sadd.s32 $0x0, s25;
	[bflag:$0x0] =	sbarrier.arrive $0xFFFF  }
0x56: {  	[tilespmem:s4], [sflag:$0x2] =	stream.linear.gather [hbm4b:s14+s4], $0x50, $0x38;
	[tilespmem:$0x18980] =	vst v63  }
0x57: {  	_ =	swait.ge [sflag:s1], $0x50  }
0x58: {  	[sflag:s1] =	ssyncset.done $0x0  }
0x59: {  	s15 =	sadd.s32 $0x0, s24;
	[sflag:s1] =	ssyncadd.s32 $0xFFFFFFB0  }
0x5a: {  	[tilespmem:s2], [sflag:$0x2] =	stream.linear.gather [hbm4b:s15+s4], $0x50, $0x38;
	[tilespmem:$0x18980] =	vst v63  }
0x5b: {  	_ =	swait.ge [sflag:s1], $0x50  }
0x5c: {  	[sflag:s1] =	ssyncset.done $0x0  }
0x5d: {  	[sflag:s1] =	ssyncadd.s32 $0xFFFFFFB0  }
0x5e: {  	[tilespmem:s7], [sflag:$0x1] =	stream.indirect.gather [hbm4b:s0+s5], $0x80, s4, s5, $0xb8;
	[tilespmem:$0x18980] =	vst v63  }
0x5f: {  	_ =	swait.ge [sflag:s8], $0x2800  }
0x60: {  	[sflag:s8] =	ssyncset.done $0x0  }
0x61: {  	[sflag:s8] =	ssyncadd.s32 $0xFFFFD800  }
0x62: {  	[spmem:s3] =	stream.indirect.scatter.add.f32 [tilespmem:s7], [sflag:$0x2], $0x80, s2, s5, $0xb8;
	[tilespmem:$0x18980] =	vst v63  }
0x63: {  	_ =	swait.ge [sflag:s1], $0x2800  }
0x64: {  	s12 =	simm.s32 $0x14;
	s11 =	simm.s32 $0xA;
	[sflag:s1] =	ssyncset.done $0x0  }
.LBB2_4:
0x65: {  	s13 =	sadd.s32 s11, s25  }
0x66: {  	[sflag:s1] =	ssyncadd.s32 $0xFFFFD800;
	s14 =	smov.u32 s12;
	s15 =	sadd.s32 $0xA, s12  }
0x67: {  	[tilespmem:s4], [sflag:$0x2] =	stream.linear.gather [hbm4b:s13+s4], $0x50, $0x38;
	[tilespmem:$0x18980] =	vst v63  }
0x68: {  	p2 =	sne.s32 s12, $0x4D8;
	_ =	swait.ge [sflag:s1], $0x50  }
0x69: {  	[sflag:s1] =	ssyncset.done $0x0  }
0x6a: {  	s12 =	sadd.s32 s11, s24;
	s11 =	smov.u32 s14;
	[sflag:s1] =	ssyncadd.s32 $0xFFFFFFB0  }
0x6b: {  	[tilespmem:s2], [sflag:$0x2] =	stream.linear.gather [hbm4b:s12+s4], $0x50, $0x38;
	[tilespmem:$0x18980] =	vst v63  }
0x6c: {  	_ =	swait.ge [sflag:s1], $0x50  }
0x6d: {  	[sflag:s1] =	ssyncset.done $0x0  }
0x6e: {  	[sflag:s1] =	ssyncadd.s32 $0xFFFFFFB0  }
0x6f: {  	[tilespmem:s7], [sflag:$0x1] =	stream.indirect.gather [hbm4b:s0+s5], $0x80, s4, s5, $0xb8;
	[tilespmem:$0x18980] =	vst v63  }
0x70: {  	_ =	swait.ge [sflag:s8], $0x2800  }
.Ltmp1:
0x71: {  	[sflag:s8] =	ssyncset.done $0x0;
	(pc) =	sbr.rel @p2 .LBB2_4-.Ltmp1, $4  }
0x72: {  	[sflag:s8] =	ssyncadd.s32 $0xFFFFD800  }
0x73: {  	[spmem:s3] =	stream.indirect.scatter.add.f32 [tilespmem:s7], [sflag:$0x2], $0x80, s2, s5, $0xb8;
	[tilespmem:$0x18980] =	vst v63  }
0x74: {  	_ =	swait.ge [sflag:s1], $0x2800  }
0x75: {  	s12 =	smov.u32 s15;
	[sflag:s1] =	ssyncset.done $0x0  }
0x76: {  	s12 =	sadd.s32 s11, s25;
	[sflag:s1] =	ssyncadd.s32 $0xFFFFD800  }
0x77: {  	[tilespmem:s4], [sflag:$0x2] =	stream.linear.gather [hbm4b:s12+s4], $0x50, $0x38;
	[tilespmem:$0x18980] =	vst v63  }
0x78: {  	_ =	swait.ge [sflag:s1], $0x50  }
0x79: {  	[sflag:s1] =	ssyncset.done $0x0  }
0x7a: {  	s13 =	sadd.s32 s11, s24;
	[sflag:s1] =	ssyncadd.s32 $0xFFFFFFB0  }
0x7b: {  	[tilespmem:s2], [sflag:$0x2] =	stream.linear.gather [hbm4b:s13+s4], $0x50, $0x38;
	[tilespmem:$0x18980] =	vst v63  }
0x7c: {  	_ =	swait.ge [sflag:s1], $0x50  }
0x7d: {  	[sflag:s1] =	ssyncset.done $0x0  }
0x7e: {  	[sflag:s1] =	ssyncadd.s32 $0xFFFFFFB0  }
0x7f: {  	[tilespmem:s7], [sflag:$0x1] =	stream.indirect.gather [hbm4b:s0+s5], $0x80, s4, s5, $0xb8;
	[tilespmem:$0x18980] =	vst v63  }
0x80: {  	_ =	swait.ge [sflag:s8], $0x2800  }
0x81: {  	[sflag:s8] =	ssyncset.done $0x0  }
0x82: {  	[sflag:s8] =	ssyncadd.s32 $0xFFFFD800  }
0x83: {  	[spmem:s3] =	stream.indirect.scatter.add.f32 [tilespmem:s7], [sflag:$0x2], $0x80, s2, s5, $0xb8;
	[tilespmem:$0x18980] =	vst v63  }
0x84: {  	_ =	swait.ge [sflag:s1], $0x2800  }
0x85: {  	[sflag:s1] =	ssyncset.done $0x0  }
0x86: {  	[sflag:s1] =	ssyncadd.s32 $0xFFFFD800  }
0x87: {  	[bflag:$0x0] =	sbarrier.arrive $0xFFFF  }
0x88: {  	[tilespmem:s31], [sflag:$0x3] =	stream.linear.gather [spmem:s6], $0x2800, $0x38;
	[tilespmem:$0x18980] =	vst v63  }
0x89: {  	_ =	swait.ge [sflag:s9], $0x2800  }
0x8a: {  	s11 =	simm.s32 $0x2;
	[sflag:s9] =	ssyncset.done $0x0  }
0x8b: {  	s11 =	simm.s32 @!p0 $0x3;
	s14 =	rddreg [dreg:$0x7];
	[sflag:s9] =	ssyncadd.s32 $0xFFFFD800  }
0x8c: {  	[hbm4b:s14+s4] =	stream.linear.scatter [tilespmem:s31], [sflag:s11], $0x2800, $0x38;
	[tilespmem:$0x18980] =	vst v63  }
0x8d: {  	_ =	swait.ge [sflag:s11], $0x2800  }
0x8e: {  	[sflag:s11] =	ssyncset.done $0x0  }
0x8f: {  	[sflag:s11] =	ssyncadd.s32 $0xFFFFD800  }
0x90: {  	[tilespmem:s31], [sflag:$0x3] =	stream.linear.gather [spmem:s18], $0x2800, $0x38;
	[tilespmem:$0x18980] =	vst v63  }
0x91: {  	_ =	swait.ge [sflag:s9], $0x2800  }
0x92: {  	[sflag:s9] =	ssyncset.done $0x0  }
0x93: {  	s15 =	rddreg [dreg:$0x8];
	[sflag:s9] =	ssyncadd.s32 $0xFFFFD800  }
0x94: {  	[hbm4b:s15+s4] =	stream.linear.scatter [tilespmem:s31], [sflag:s11], $0x2800, $0x38;
	[tilespmem:$0x18980] =	vst v63  }
0x95: {  	_ =	swait.ge [sflag:s11], $0x2800  }
0x96: {  	[sflag:s11] =	ssyncset.done $0x0  }
0x97: {  	[sflag:s11] =	ssyncadd.s32 $0xFFFFD800  }
0x98: {  	[tilespmem:s31], [sflag:$0x3] =	stream.linear.gather [spmem:s19], $0x2800, $0x38;
	[tilespmem:$0x18980] =	vst v63  }
0x99: {  	_ =	swait.ge [sflag:s9], $0x2800  }
0x9a: {  	[sflag:s9] =	ssyncset.done $0x0  }
0x9b: {  	s13 =	rddreg [dreg:$0x9];
	[sflag:s9] =	ssyncadd.s32 $0xFFFFD800  }
0x9c: {  	[hbm4b:s13+s4] =	stream.linear.scatter [tilespmem:s31], [sflag:s11], $0x2800, $0x38;
	[tilespmem:$0x18980] =	vst v63  }
0x9d: {  	_ =	swait.ge [sflag:s11], $0x2800  }
0x9e: {  	[sflag:s11] =	ssyncset.done $0x0  }
0x9f: {  	[sflag:s11] =	ssyncadd.s32 $0xFFFFD800  }
0xa0: {  	[tilespmem:s31], [sflag:$0x3] =	stream.linear.gather [spmem:s20], $0x2800, $0x38;
	[tilespmem:$0x18980] =	vst v63  }
0xa1: {  	_ =	swait.ge [sflag:s9], $0x2800  }
0xa2: {  	[sflag:s9] =	ssyncset.done $0x0  }
0xa3: {  	s14 =	rddreg [dreg:$0xa];
	[sflag:s9] =	ssyncadd.s32 $0xFFFFD800  }
0xa4: {  	[hbm4b:s14+s4] =	stream.linear.scatter [tilespmem:s31], [sflag:s11], $0x2800, $0x38;
	[tilespmem:$0x18980] =	vst v63  }
0xa5: {  	_ =	swait.ge [sflag:s11], $0x2800  }
0xa6: {  	[sflag:s11] =	ssyncset.done $0x0  }
0xa7: {  	[sflag:s11] =	ssyncadd.s32 $0xFFFFD800  }
0xa8: {  	[tilespmem:s31], [sflag:$0x3] =	stream.linear.gather [spmem:s21], $0x2800, $0x38;
	[tilespmem:$0x18980] =	vst v63  }
0xa9: {  	_ =	swait.ge [sflag:s9], $0x2800  }
0xaa: {  	[sflag:s9] =	ssyncset.done $0x0  }
0xab: {  	s15 =	rddreg [dreg:$0xb];
	[sflag:s9] =	ssyncadd.s32 $0xFFFFD800  }
0xac: {  	[hbm4b:s15+s4] =	stream.linear.scatter [tilespmem:s31], [sflag:s11], $0x2800, $0x38;
	[tilespmem:$0x18980] =	vst v63  }
0xad: {  	_ =	swait.ge [sflag:s11], $0x2800  }
0xae: {  	[sflag:s11] =	ssyncset.done $0x0  }
0xaf: {  	[sflag:s11] =	ssyncadd.s32 $0xFFFFD800  }
0xb0: {  	[tilespmem:s31], [sflag:$0x3] =	stream.linear.gather [spmem:s22], $0x2800, $0x38;
	[tilespmem:$0x18980] =	vst v63  }
0xb1: {  	_ =	swait.ge [sflag:s9], $0x2800  }
0xb2: {  	[sflag:s9] =	ssyncset.done $0x0  }
0xb3: {  	s13 =	rddreg [dreg:$0xc];
	[sflag:s9] =	ssyncadd.s32 $0xFFFFD800  }
0xb4: {  	[hbm4b:s13+s4] =	stream.linear.scatter [tilespmem:s31], [sflag:s11], $0x2800, $0x38;
	[tilespmem:$0x18980] =	vst v63  }
0xb5: {  	_ =	swait.ge [sflag:s11], $0x2800  }
0xb6: {  	[sflag:s11] =	ssyncset.done $0x0  }
0xb7: {  	[sflag:s11] =	ssyncadd.s32 $0xFFFFD800  }
0xb8: {  	[tilespmem:s31], [sflag:$0x3] =	stream.linear.gather [spmem:s23], $0x2800, $0x38;
	[tilespmem:$0x18980] =	vst v63  }
0xb9: {  	_ =	swait.ge [sflag:s9], $0x2800  }
0xba: {  	[sflag:s9] =	ssyncset.done $0x0  }
0xbb: {  	s14 =	rddreg [dreg:$0xd];
	[sflag:s9] =	ssyncadd.s32 $0xFFFFD800  }
0xbc: {  	[hbm4b:s14+s4] =	stream.linear.scatter [tilespmem:s31], [sflag:s11], $0x2800, $0x38;
	[tilespmem:$0x18980] =	vst v63  }
0xbd: {  	_ =	swait.ge [sflag:s11], $0x2800  }
0xbe: {  	[sflag:s11] =	ssyncset.done $0x0  }
0xbf: {  	s12 =	simm.s32 @!p1 $0x2900;
	s13 =	simm.s32 @!p1 $0x3;
	[sflag:s11] =	ssyncadd.s32 $0xFFFFD800  }
0xc0: {  	[tilespmem:s12], [sflag:$0x3] =	stream.linear.gather @!p1 [spmem:s17], $0x2800, $0x38;
	[tilespmem:$0x18980] =	vst v63  }
0xc1: {  	_ =	swait.ge @!p1 [sflag:s13], $0x2800  }
0xc2: {  	[sflag:s13] =	ssyncset.done @!p1 $0x0  }
0xc3: {  	s14 =	rddreg [dreg:$0xe];
	[sflag:s13] =	ssyncadd.s32 @!p1 $0xFFFFD800;
	s13 =	simm.s32 @!p1 $0x0  }
0xc4: {  	[hbm4b:s14+s13] =	stream.linear.scatter @!p1 [tilespmem:s12], [sflag:s11], $0x2800, $0x38;
	[tilespmem:$0x18980] =	vst v63  }
0xc5: {  	_ =	swait.ge @!p1 [sflag:s11], $0x2800  }
0xc6: {  	s10 =	sadd.s32 $0x1, s10;
	s15 =	rddreg [dreg:$0x5]  }
0xc7: {  	p2 =	sne.s32 s10, s15  }
.Ltmp2:
0xc8: {  	_ = 	snop;
	(pc) =	sbr.rel @p2 .LBB2_1-.Ltmp2, $3  }
0xc9: {  	_ =	sdelay $0x1  }
0xca: {  	[sflag:s11] =	ssyncset.done @!p1 $0x0  }
0xcb: {  	[sflag:s11] =	ssyncadd.s32 @!p1 $0xFFFFD800  }
0xcc: {  	_ =	sfence.sel $0x180000  }
0xcd: {  	[bflag:$0x0] =	sbarrier.arrive $0xFFFF  }
0xce: {  	_ =	strace $0x90000047  }
0xcf: {  	s0 =	stileid.u32;
	[bflag:$0x2] =	sbarrier.arrive $0xFFFF  }
0xd0: {  	p0 =	sne.s32 s0, $0x0;
	s0 =	rddreg [dreg:$0x4]  }
0xd1: {  	s0 =	sadd.s32 @!p0 $0x100000, s0  }
0xd2: {  	[sflag:s0] =	ssyncadd.tile.s32 @!p0 $0x1;
	_ =	shalt  }
.Lfunc_end2:
_tile_overlayer_lowered:
.L_overlay_start_2:
0xd3: {  	(tag) =	ssettag $0x2  }
0xd4: {  	s0 =	rddreg [dreg:$0x0];
	s2 =	stileid.u32  }
0xd5: {  	s1 =	rddreg [dreg:$0x1];
	p0 =	sne.s32 s2, $0x0  }
0xd6: {  	s3 =	rddreg [dreg:$0x2];
	[bflag:$0x3] =	sbarrier.arrive $0xFFFF;
	s2 =	simm.s32 @!p0 $0x1C02  }
0xd7: {  	[timem:s3], [sflag:s2] =	dma.local @!p0 [hbm:s0], s1  }
0xd8: {  	s0 =	simm.s32 @!p0 $0x2  }
0xd9: {  	_ =	swait.ge @!p0 [sflag:s0], s1  }
0xda: {  	s1 =	ssub.s32 @!p0 $0x0, s1;
	[sflag:s0] =	ssyncset.done @!p0 $0x0  }
0xdb: {  	[sflag:s0] =	ssyncadd.s32 @!p0 s1  }
0xdc: {  	[bflag:$0x3] =	sbarrier.arrive $0xFFFF  }
0xdd: {  	_ =	shalt  }

</sc_bundles>
